<compile_context>
chip_gen: v7x
topology: tpu7x:2x2x1
jax: 0.10.2.dev20260603
libtpu: 0.0.44.dev20260713+nightly
codegen_flags: <defaults>
</compile_context>

<pallas_src>
import jax
import jax.numpy as jnp
from jax.experimental import pallas as pl
from jax.experimental.pallas import tpu as pltpu

VH, VW, VZ, D = 128, 128, 16, 128
N = VH * VW * VZ
BN = 2048


def _body(prop_full_ref, prop_ref, L_ref, Wq_ref, bq_ref, W1_ref, b1_ref,
          g_ref, beta_ref, W2_ref, b2_ref, out_ref, tot_ref):
    @pl.when(pl.program_id(0) == 0)
    def _():
        tot_ref[0, 0] = jnp.sum(prop_full_ref[...])

    L = L_ref[...]
    seed = jax.lax.dot_general(Wq_ref[...], L, (((0,), (0,)), ((), ())),
                               preferred_element_type=jnp.float32) + bq_ref[...]
    h = jax.lax.dot_general(W1_ref[...], L, (((0,), (0,)), ((), ())),
                            preferred_element_type=jnp.float32) + b1_ref[...]
    m = jnp.mean(h, axis=0, keepdims=True)
    hc = h - m
    var = jnp.mean(hc * hc, axis=0, keepdims=True)
    hn = hc / jnp.sqrt(var + 1e-5) * g_ref[...] + beta_ref[...]
    hn = jnp.where(hn >= 0, hn, 0.01 * hn)
    prior = jax.lax.dot_general(W2_ref[...], hn, (((0,), (0,)), ((), ())),
                                preferred_element_type=jnp.float32) + b2_ref[...]
    unmasked = jnp.logical_or(prop_ref[...] > 0, tot_ref[0, 0] < 2)
    out_ref[...] = jnp.where(unmasked, seed, prior)


def kernel(mlvl_feats, proposal, cam_params, lss_volume, W_q, b_q,
           W1, b1, ln_g, ln_b, W2, b2):
    L = lss_volume.reshape(D, N)
    prop_row = proposal.reshape(1, N)
    prop_full = proposal.reshape(N // 128, 128)
    out = pl.pallas_call(
        _body,
        grid=(N // BN,),
        in_specs=[
            pl.BlockSpec((N // 128, 128), lambda i: (0, 0)),
            pl.BlockSpec((1, BN), lambda i: (0, i)),
            pl.BlockSpec((D, BN), lambda i: (0, i)),
            pl.BlockSpec((D, D), lambda i: (0, 0)),
            pl.BlockSpec((D, 1), lambda i: (0, 0)),
            pl.BlockSpec((D, D // 2), lambda i: (0, 0)),
            pl.BlockSpec((D // 2, 1), lambda i: (0, 0)),
            pl.BlockSpec((D // 2, 1), lambda i: (0, 0)),
            pl.BlockSpec((D // 2, 1), lambda i: (0, 0)),
            pl.BlockSpec((D // 2, D), lambda i: (0, 0)),
            pl.BlockSpec((D, 1), lambda i: (0, 0)),
        ],
        out_specs=pl.BlockSpec((D, BN), lambda i: (0, i)),
        out_shape=jax.ShapeDtypeStruct((D, N), jnp.float32),
        scratch_shapes=[pltpu.SMEM((1, 1), jnp.int32)],
        compiler_params=pltpu.CompilerParams(
            dimension_semantics=("arbitrary",)),
    )(prop_full, prop_row, L, W_q, b_q.reshape(D, 1), W1,
      b1.reshape(D // 2, 1), ln_g.reshape(D // 2, 1), ln_b.reshape(D // 2, 1),
      W2, b2.reshape(D, 1))
    return out.reshape(1, D, VH, VW, VZ)

# --- scband reference (transcript-rebuilt; emitter-appended) ---
"""Pipeline reference for scband-vox-former-head-tiny-82059645157816 (READ-ONLY COPY).

The authoritative reference and input builder live on the scoring server;
editing this copy changes nothing except your own understanding.
"""

import jax, jax.numpy as jnp
import numpy as np

VH, VW, VZ, D = 128, 128, 16, 128


def setup_inputs(seed: int = 0):
    key = jax.random.key(seed)
    ks = jax.random.split(key, 8)
    inp = {}
    inp["mlvl_feats"] = jax.random.normal(ks[0], (1, 1, 1, 128, 24, 77), dtype=jnp.float32)
    inp["proposal"] = jax.random.randint(ks[1], (VH * VW * VZ,), 0, 2, dtype=jnp.int32)
    inp["cam_params"] = jnp.zeros((1, 4, 4), dtype=jnp.float32)
    inp["lss_volume"] = jax.random.normal(ks[2], (1, D, VH, VW, VZ), dtype=jnp.float32)
    # surrogate cross-transformer projection (stands in for deformable cross-attn seed features)
    inp["W_q"] = jax.random.normal(ks[3], (D, D), dtype=jnp.float32) * 0.02
    inp["b_q"] = jnp.zeros((D,), dtype=jnp.float32)
    # mlp_prior params: Linear(D, D//2) -> LayerNorm -> LeakyReLU -> Linear(D//2, D)
    inp["W1"] = jax.random.normal(ks[4], (D, D // 2), dtype=jnp.float32) * 0.02
    inp["b1"] = jnp.zeros((D // 2,), dtype=jnp.float32)
    inp["ln_g"] = jnp.ones((D // 2,), dtype=jnp.float32)
    inp["ln_b"] = jnp.zeros((D // 2,), dtype=jnp.float32)
    inp["W2"] = jax.random.normal(ks[5], (D // 2, D), dtype=jnp.float32) * 0.02
    inp["b2"] = jnp.zeros((D,), dtype=jnp.float32)
    return inp


def _layernorm(x, g, b, eps=1e-5):
    m = jnp.mean(x, axis=-1, keepdims=True)
    v = jnp.mean((x - m) ** 2, axis=-1, keepdims=True)
    return (x - m) / jnp.sqrt(v + eps) * g + b


def _mlp_prior(x, W1, b1, ln_g, ln_b, W2, b2):
    h = x @ W1 + b1
    h = _layernorm(h, ln_g, ln_b)
    h = jnp.where(h >= 0, h, 0.01 * h)  # LeakyReLU default slope
    return h @ W2 + b2


def reference(mlvl_feats, proposal, cam_params, lss_volume, W_q, b_q, W1, b1, ln_g, ln_b, W2, b2):
    # lss_volume.flatten(2).squeeze(0).permute(1, 0) -> [N_vox, D]
    lss_flat = lss_volume.reshape(1, D, -1)[0].T
    prop = proposal.reshape(-1)
    prop = jnp.where(prop.sum() < 2, jnp.ones_like(prop), prop)
    unmasked = prop > 0
    # surrogate for cross_transformer.get_vox_features: gather unmasked queries + linear proj
    seed_feats = lss_flat @ W_q + b_q
    prior_feats = _mlp_prior(lss_flat, W1, b1, ln_g, ln_b, W2, b2)
    # scatter-overwrite into the full voxel memory
    vox = jnp.where(unmasked[:, None], seed_feats, prior_feats).astype(lss_flat.dtype)
    vox = vox.reshape(VH, VW, VZ, D).transpose(3, 0, 1, 2)[None]
    return vox

if __name__ == "__main__":
    import jax
    _d = setup_inputs()
    print(jax.jit(kernel)(*tuple(_d.values())))

</pallas_src>

<mosaic_0001>
module attributes {stable_mosaic.version = 14 : i64} {
  func.func @_body(%arg0: i32, %arg1: memref<2048x128xi32, #tpu.memory_space<vmem>>, %arg2: memref<1x2048xi32, #tpu.memory_space<vmem>>, %arg3: memref<128x2048xf32, #tpu.memory_space<vmem>>, %arg4: memref<128x128xf32, #tpu.memory_space<vmem>>, %arg5: memref<128x1xf32, #tpu.memory_space<vmem>>, %arg6: memref<128x64xf32, #tpu.memory_space<vmem>>, %arg7: memref<64x1xf32, #tpu.memory_space<vmem>>, %arg8: memref<64x1xf32, #tpu.memory_space<vmem>>, %arg9: memref<64x1xf32, #tpu.memory_space<vmem>>, %arg10: memref<64x128xf32, #tpu.memory_space<vmem>>, %arg11: memref<128x1xf32, #tpu.memory_space<vmem>>, %arg12: memref<128x2048xf32, #tpu.memory_space<vmem>>, %arg13: memref<1x1xi32, #tpu.memory_space<smem>>) attributes {dimension_semantics = [#tpu.dimension_semantics<arbitrary>], iteration_bounds = array<i64: 128>, scalar_prefetch = 0 : i64, scratch_operands = 1 : i64, tpu.core_type = #tpu.core_type<tc>, window_params = [{pipeline_mode = #tpu.pipeline_mode<synchronous>, transform_indices = @transform_0, window_bounds = array<i64: 2048, 128>}, {transform_indices = @transform_1, window_bounds = array<i64: 1, 2048>}, {transform_indices = @transform_2, window_bounds = array<i64: 128, 2048>}, {pipeline_mode = #tpu.pipeline_mode<synchronous>, transform_indices = @transform_3, window_bounds = array<i64: 128, 128>}, {pipeline_mode = #tpu.pipeline_mode<synchronous>, transform_indices = @transform_4, window_bounds = array<i64: 128, 1>}, {pipeline_mode = #tpu.pipeline_mode<synchronous>, transform_indices = @transform_5, window_bounds = array<i64: 128, 64>}, {pipeline_mode = #tpu.pipeline_mode<synchronous>, transform_indices = @transform_6, window_bounds = array<i64: 64, 1>}, {pipeline_mode = #tpu.pipeline_mode<synchronous>, transform_indices = @transform_7, window_bounds = array<i64: 64, 1>}, {pipeline_mode = #tpu.pipeline_mode<synchronous>, transform_indices = @transform_8, window_bounds = array<i64: 64, 1>}, {pipeline_mode = #tpu.pipeline_mode<synchronous>, transform_indices = @transform_9, window_bounds = array<i64: 64, 128>}, {pipeline_mode = #tpu.pipeline_mode<synchronous>, transform_indices = @transform_10, window_bounds = array<i64: 128, 1>}, {transform_indices = @transform_11, window_bounds = array<i64: 128, 2048>}]} {
    %eq3A = arith.constant 0 : i32
    %eq3A_0 = arith.cmpi eq, %arg0, %eq3A : i32
    %convert_element_type3A = arith.extui %eq3A_0 : i1 to i32
    %cond3A = arith.constant 0 : i32
    %cond3A_1 = arith.cmpi ne, %convert_element_type3A, %cond3A : i32
    scf.if %cond3A_1 {
      %get3A_77 = arith.constant 0 : index
      %get3A_78 = arith.constant 0 : index
      %get3A_79 = vector.load %arg1[%get3A_77, %get3A_78] : memref<2048x128xi32, #tpu.memory_space<vmem>>, vector<2048x128xi32>
      %reduce_sum3A_80 = vector.shape_cast %get3A_79 : vector<2048x128xi32> to vector<1x2048x128xi32>
      %reduce_sum3A_81 = arith.constant dense<0> : vector<1xi32>
      %reduce_sum3A_82 = vector.multi_reduction <add>, %reduce_sum3A_80, %reduce_sum3A_81 [1, 2] : vector<1x2048x128xi32> to vector<1xi32>
      %reduce_sum3A_83 = vector.shape_cast %reduce_sum3A_82 : vector<1xi32> to vector<1x1x1xi32>
      %reduce_sum3A_84 = vector.extract %reduce_sum3A_83[0, 0, 0] : i32 from vector<1x1x1xi32>
      %swap3A_85 = arith.constant 0 : index
      %swap3A_86 = arith.constant 0 : index
      %swap3A_87 = memref.load %arg13[%swap3A_85, %swap3A_86] : memref<1x1xi32, #tpu.memory_space<smem>>
      memref.store %reduce_sum3A_84, %arg13[%swap3A_85, %swap3A_86] : memref<1x1xi32, #tpu.memory_space<smem>>
    } else {
    }
    %get3A = arith.constant 0 : index
    %get3A_2 = arith.constant 0 : index
    %get3A_3 = vector.load %arg3[%get3A, %get3A_2] : memref<128x2048xf32, #tpu.memory_space<vmem>>, vector<128x2048xf32>
    %get3A_4 = arith.constant 0 : index
    %get3A_5 = arith.constant 0 : index
    %get3A_6 = vector.load %arg4[%get3A_4, %get3A_5] : memref<128x128xf32, #tpu.memory_space<vmem>>, vector<128x128xf32>
    %dot_general3A = arith.constant dense<0.000000e+00> : vector<128x2048xf32>
    %dot_general3A_7 = tpu.matmul %get3A_6, %get3A_3, %dot_general3A {dimension_numbers = #tpu.dot_dimension_numbers<[0], [0], [1], [1], [0, 1, 1, 1], [], []>, transpose_lhs_hint = false} : vector<128x128xf32>, vector<128x2048xf32>, vector<128x2048xf32> -> vector<128x2048xf32>
    %get3A_8 = arith.constant 0 : index
    %get3A_9 = arith.constant 0 : index
    %get3A_10 = vector.load %arg5[%get3A_8, %get3A_9] : memref<128x1xf32, #tpu.memory_space<vmem>>, vector<128x1xf32>
    %add3A = vector.broadcast %get3A_10 : vector<128x1xf32> to vector<128x2048xf32>
    %add3A_11 = arith.addf %dot_general3A_7, %add3A : vector<128x2048xf32>
    %get3A_12 = arith.constant 0 : index
    %get3A_13 = arith.constant 0 : index
    %get3A_14 = vector.load %arg6[%get3A_12, %get3A_13] : memref<128x64xf32, #tpu.memory_space<vmem>>, vector<128x64xf32>
    %dot_general3A_15 = arith.constant dense<0.000000e+00> : vector<64x2048xf32>
    %dot_general3A_16 = tpu.matmul %get3A_14, %get3A_3, %dot_general3A_15 {dimension_numbers = #tpu.dot_dimension_numbers<[0], [0], [1], [1], [0, 1, 1, 1], [], []>, transpose_lhs_hint = false} : vector<128x64xf32>, vector<128x2048xf32>, vector<64x2048xf32> -> vector<64x2048xf32>
    %get3A_17 = arith.constant 0 : index
    %get3A_18 = arith.constant 0 : index
    %get3A_19 = vector.load %arg7[%get3A_17, %get3A_18] : memref<64x1xf32, #tpu.memory_space<vmem>>, vector<64x1xf32>
    %add3A_20 = vector.broadcast %get3A_19 : vector<64x1xf32> to vector<64x2048xf32>
    %add3A_21 = arith.addf %dot_general3A_16, %add3A_20 : vector<64x2048xf32>
    %reduce_sum3A = arith.constant dense<0.000000e+00> : vector<2048xf32>
    %reduce_sum3A_22 = vector.multi_reduction <add>, %add3A_21, %reduce_sum3A [0] : vector<64x2048xf32> to vector<2048xf32>
    %broadcast_in_dim3A = vector.shape_cast %reduce_sum3A_22 : vector<2048xf32> to vector<1x2048xf32>
    %div3A = arith.constant 6.400000e+01 : f32
    %div3A_23 = vector.broadcast %div3A : f32 to vector<1x2048xf32>
    %div3A_24 = arith.divf %broadcast_in_dim3A, %div3A_23 : vector<1x2048xf32>
    %sub3A = vector.broadcast %div3A_24 : vector<1x2048xf32> to vector<64x2048xf32>
    %sub3A_25 = arith.subf %add3A_21, %sub3A : vector<64x2048xf32>
    %mul3A = arith.mulf %sub3A_25, %sub3A_25 : vector<64x2048xf32>
    %reduce_sum3A_26 = arith.constant dense<0.000000e+00> : vector<2048xf32>
    %reduce_sum3A_27 = vector.multi_reduction <add>, %mul3A, %reduce_sum3A_26 [0] : vector<64x2048xf32> to vector<2048xf32>
    %broadcast_in_dim3A_28 = vector.shape_cast %reduce_sum3A_27 : vector<2048xf32> to vector<1x2048xf32>
    %div3A_29 = arith.constant 6.400000e+01 : f32
    %div3A_30 = vector.broadcast %div3A_29 : f32 to vector<1x2048xf32>
    %div3A_31 = arith.divf %broadcast_in_dim3A_28, %div3A_30 : vector<1x2048xf32>
    %add3A_32 = arith.constant 9.99999974E-6 : f32
    %add3A_33 = vector.broadcast %add3A_32 : f32 to vector<1x2048xf32>
    %add3A_34 = arith.addf %div3A_31, %add3A_33 : vector<1x2048xf32>
    %sqrt3A = math.sqrt %add3A_34 : vector<1x2048xf32>
    %div3A_35 = vector.broadcast %sqrt3A : vector<1x2048xf32> to vector<64x2048xf32>
    %div3A_36 = arith.divf %sub3A_25, %div3A_35 : vector<64x2048xf32>
    %get3A_37 = arith.constant 0 : index
    %get3A_38 = arith.constant 0 : index
    %get3A_39 = vector.load %arg8[%get3A_37, %get3A_38] : memref<64x1xf32, #tpu.memory_space<vmem>>, vector<64x1xf32>
    %mul3A_40 = vector.broadcast %get3A_39 : vector<64x1xf32> to vector<64x2048xf32>
    %mul3A_41 = arith.mulf %div3A_36, %mul3A_40 : vector<64x2048xf32>
    %get3A_42 = arith.constant 0 : index
    %get3A_43 = arith.constant 0 : index
    %get3A_44 = vector.load %arg9[%get3A_42, %get3A_43] : memref<64x1xf32, #tpu.memory_space<vmem>>, vector<64x1xf32>
    %add3A_45 = vector.broadcast %get3A_44 : vector<64x1xf32> to vector<64x2048xf32>
    %add3A_46 = arith.addf %mul3A_41, %add3A_45 : vector<64x2048xf32>
    %ge3A = arith.constant 0.000000e+00 : f32
    %ge3A_47 = vector.broadcast %ge3A : f32 to vector<64x2048xf32>
    %ge3A_48 = arith.cmpf oge, %add3A_46, %ge3A_47 : vector<64x2048xf32>
    %mul3A_49 = arith.constant 0.00999999977 : f32
    %mul3A_50 = vector.broadcast %mul3A_49 : f32 to vector<64x2048xf32>
    %mul3A_51 = arith.mulf %mul3A_50, %add3A_46 : vector<64x2048xf32>
    %select_n3A = arith.select %ge3A_48, %add3A_46, %mul3A_51 : vector<64x2048xi1>, vector<64x2048xf32>
    %get3A_52 = arith.constant 0 : index
    %get3A_53 = arith.constant 0 : index
    %get3A_54 = vector.load %arg10[%get3A_52, %get3A_53] : memref<64x128xf32, #tpu.memory_space<vmem>>, vector<64x128xf32>
    %dot_general3A_55 = arith.constant dense<0.000000e+00> : vector<128x2048xf32>
    %dot_general3A_56 = tpu.matmul %get3A_54, %select_n3A, %dot_general3A_55 {dimension_numbers = #tpu.dot_dimension_numbers<[0], [0], [1], [1], [0, 1, 1, 1], [], []>, transpose_lhs_hint = false} : vector<64x128xf32>, vector<64x2048xf32>, vector<128x2048xf32> -> vector<128x2048xf32>
    %get3A_57 = arith.constant 0 : index
    %get3A_58 = arith.constant 0 : index
    %get3A_59 = vector.load %arg11[%get3A_57, %get3A_58] : memref<128x1xf32, #tpu.memory_space<vmem>>, vector<128x1xf32>
    %add3A_60 = vector.broadcast %get3A_59 : vector<128x1xf32> to vector<128x2048xf32>
    %add3A_61 = arith.addf %dot_general3A_56, %add3A_60 : vector<128x2048xf32>
    %get3A_62 = arith.constant 0 : index
    %get3A_63 = arith.constant 0 : index
    %get3A_64 = vector.load %arg2[%get3A_62, %get3A_63] : memref<1x2048xi32, #tpu.memory_space<vmem>>, vector<1x2048xi32>
    %gt3A = arith.constant 0 : i32
    %gt3A_65 = vector.broadcast %gt3A : i32 to vector<1x2048xi32>
    %gt3A_66 = arith.cmpi sgt, %get3A_64, %gt3A_65 : vector<1x2048xi32>
    %get3A_67 = arith.constant 0 : index
    %get3A_68 = arith.constant 0 : index
    %get3A_69 = memref.load %arg13[%get3A_67, %get3A_68] : memref<1x1xi32, #tpu.memory_space<smem>>
    %lt3A = arith.constant 2 : i32
    %lt3A_70 = arith.cmpi slt, %get3A_69, %lt3A : i32
    %or3A = vector.broadcast %lt3A_70 : i1 to vector<1x2048xi1>
    %or3A_71 = arith.ori %gt3A_66, %or3A : vector<1x2048xi1>
    %broadcast_in_dim3A_72 = vector.shape_cast %or3A_71 : vector<1x2048xi1> to vector<1x2048xi1>
    %broadcast_in_dim3A_73 = vector.broadcast %broadcast_in_dim3A_72 : vector<1x2048xi1> to vector<128x2048xi1>
    %select_n3A_74 = arith.select %broadcast_in_dim3A_73, %add3A_11, %add3A_61 : vector<128x2048xi1>, vector<128x2048xf32>
    %swap3A = arith.constant 0 : index
    %swap3A_75 = arith.constant 0 : index
    %swap3A_76 = vector.load %arg12[%swap3A, %swap3A_75] : memref<128x2048xf32, #tpu.memory_space<vmem>>, vector<128x2048xf32>
    tpu.vector_store %arg12[%swap3A, %swap3A_75], %select_n3A_74 {strides = array<i32>} : memref<128x2048xf32, #tpu.memory_space<vmem>>, vector<128x2048xf32>,
    return
  }
  func.func @transform_0(%arg0: i32) -> (i32, i32) {
    %c0_i32 = arith.constant 0 : i32
    %c0_i32_0 = arith.constant 0 : i32
    %c0_i32_1 = arith.constant 0 : i32
    return %c0_i32, %c0_i32_0 : i32, i32
  }
  func.func @transform_1(%arg0: i32) -> (i32, i32) {
    %c0_i32 = arith.constant 0 : i32
    %c0_i32_0 = arith.constant 0 : i32
    return %c0_i32, %arg0 : i32, i32
  }
  func.func @transform_2(%arg0: i32) -> (i32, i32) {
    %c0_i32 = arith.constant 0 : i32
    %c0_i32_0 = arith.constant 0 : i32
    return %c0_i32, %arg0 : i32, i32
  }
  func.func @transform_3(%arg0: i32) -> (i32, i32) {
    %c0_i32 = arith.constant 0 : i32
    %c0_i32_0 = arith.constant 0 : i32
    %c0_i32_1 = arith.constant 0 : i32
    return %c0_i32, %c0_i32_0 : i32, i32
  }
  func.func @transform_4(%arg0: i32) -> (i32, i32) {
    %c0_i32 = arith.constant 0 : i32
    %c0_i32_0 = arith.constant 0 : i32
    %c0_i32_1 = arith.constant 0 : i32
    return %c0_i32, %c0_i32_0 : i32, i32
  }
  func.func @transform_5(%arg0: i32) -> (i32, i32) {
    %c0_i32 = arith.constant 0 : i32
    %c0_i32_0 = arith.constant 0 : i32
    %c0_i32_1 = arith.constant 0 : i32
    return %c0_i32, %c0_i32_0 : i32, i32
  }
  func.func @transform_6(%arg0: i32) -> (i32, i32) {
    %c0_i32 = arith.constant 0 : i32
    %c0_i32_0 = arith.constant 0 : i32
    %c0_i32_1 = arith.constant 0 : i32
    return %c0_i32, %c0_i32_0 : i32, i32
  }
  func.func @transform_7(%arg0: i32) -> (i32, i32) {
    %c0_i32 = arith.constant 0 : i32
    %c0_i32_0 = arith.constant 0 : i32
    %c0_i32_1 = arith.constant 0 : i32
    return %c0_i32, %c0_i32_0 : i32, i32
  }
  func.func @transform_8(%arg0: i32) -> (i32, i32) {
    %c0_i32 = arith.constant 0 : i32
    %c0_i32_0 = arith.constant 0 : i32
    %c0_i32_1 = arith.constant 0 : i32
    return %c0_i32, %c0_i32_0 : i32, i32
  }
  func.func @transform_9(%arg0: i32) -> (i32, i32) {
    %c0_i32 = arith.constant 0 : i32
    %c0_i32_0 = arith.constant 0 : i32
    %c0_i32_1 = arith.constant 0 : i32
    return %c0_i32, %c0_i32_0 : i32, i32
  }
  func.func @transform_10(%arg0: i32) -> (i32, i32) {
    %c0_i32 = arith.constant 0 : i32
    %c0_i32_0 = arith.constant 0 : i32
    %c0_i32_1 = arith.constant 0 : i32
    return %c0_i32, %c0_i32_0 : i32, i32
  }
  func.func @transform_11(%arg0: i32) -> (i32, i32) {
    %c0_i32 = arith.constant 0 : i32
    %c0_i32_0 = arith.constant 0 : i32
    return %c0_i32, %arg0 : i32, i32
  }
}

</mosaic_0001>

<sc_bundles>
// kernel: sparse-core-data-format-call.cloned.1.call-start
scs
called_computation_lowered:
.L_overlay_start_0:
0x0: {  	s2 =	sld [smem:$0x3FD9]  }
0x1: {  	s3 =	sld [smem:$0x3FFE];
	_ =	sdelay $0x1  }
0x2: {  	s1 =	srdreg.scid  }
0x3: {  	s0 =	sand.u32 $0x1, s1  }
0x4: {  	s18 =	sshll.u32 s0, $0xA;
	s2 =	sadd.s32 s3, s2  }
0x5: {  	s2 =	sadd.s32 s2, s18  }
0x6: {  	[smem:$0x3FBE] =	sst s2  }
0x7: {  	_ = 	snop  }
0x8: {  	s2 =	sld [smem:$0x3FD0];
	(tm) =	ssettm $0x1  }
0x9: {  	s19 =	sld [smem:$0x3FFB];
	_ =	sdelay $0x3  }
0xa: {  	_ =	strace s19  }
0xb: {  	s3 =	sld [smem:$0x3FFC];
	_ =	sdelay $0x3  }
0xc: {  	_ =	strace s3  }
0xd: {  	s3 =	sld [smem:$0x3FFD];
	_ =	sdelay $0x3  }
0xe: {  	_ =	strace s3  }
0xf: {  	_ =	strace $0x8FFFFFFF  }
0x10: {  	s20 =	sld [smem:$0x3FDB];
	_ =	sdelay $0x1  }
0x11: {  	s4 =	simm.s32 $_scs_section_size  }
0x12: {  	s5 =	simm.s32 $_size__tile_overlayer_lowered;
	s6 =	simm.s32 $_tile_overlayer_lowered  }
0x13: {  	s23 =	simm.s32 $0x1BFF;
	s22 =	sshll.u32 s6, $0x1;
	s3 =	sadd.s32 s4, s20  }
0x14: {  	s7 =	simm.s32 $0x0;
	s21 =	sshll.u32 s5, $0x1;
	s5 =	sadd.s32 s22, s3  }
0x15: {  	[timem:s7], [sflag:s23] =	dma.local [hbm:s5], s21  }
0x16: {  	_ =	swait.ge [sflag:s23], s21  }
0x17: {  	s4 =	ssub.s32 $0x0, s21;
	[sflag:s23] =	ssyncset.done $0x0  }
0x18: {  	[sflag:s23] =	ssyncadd.s32 s4;
	_ =	sdelay $0x1  }
0x19: {  	s24 =	simm.s32 $0x1B8B  }
0x1a: {  	_ =	swait.ge [sflag:s24], $0x1  }
0x1b: {  	[sflag:s24] =	ssyncset.done $0x0  }
0x1c: {  	s26 =	simm.s32 $0x1B8E;
	s25 =	sld [smem:$0x3FFE];
	[sflag:s24] =	ssyncadd.s32 $0xFFFFFFFF  }
0x1d: {  	s27 =	simm.s32 $execute0_lowered;
	[smem:$0x3FD2] =	sst s26  }
0x1e: {  	s5 =	sshll.u32 s27, $0x1;
	_ =	strace $0x80000046;
	[dreg:$0x1] =	wrdreg $0xFFFFFFFF  }
0x1f: {  	s28 =	simm.s32 $_size_execute0_lowered;
	s3 =	sadd.s32 s3, s5;
	[dreg:$0x0] =	wrdreg $0x0  }
0x20: {  	s5 =	sshll.u32 s28, $0x1;
	[dreg:$0x2] =	wrdreg s3  }
0x21: {  	[dreg:$0x3] =	wrdreg s5  }
0x22: {  	[dreg:$0x4] =	wrdreg $0xC0  }
0x23: {  	_ =	task [dreg:s7], $0x5FFFF  }
0x24: {  	[dreg:$0x1] =	wrdreg $0xFFFFFFFF  }
0x25: {  	[dreg:$0x0] =	wrdreg $0x60  }
0x26: {  	[dreg:$0x2] =	wrdreg s25  }
0x27: {  	[dreg:$0x3] =	wrdreg s2  }
0x28: {  	[dreg:$0x4] =	wrdreg $0x9  }
0x29: {  	_ =	task.clear_ibuf [dreg:s7], $0x5FFFF;
	_ =	strace $0x90000046  }
0x2a: {  	s29 =	simm.s32 $0x9;
	_ =	strace $0x80000048  }
0x2b: {  	_ =	swait.ge [sflag:s29], $0x1  }
0x2c: {  	[sflag:s29] =	ssyncadd.s32 $0xFFFFFFFF  }
0x2d: {  	_ =	strace $0x90000048  }
0x2e: {  	_ =	sfence  }
0x2f: {  	s30 =	sld [smem:$0x0];
	_ =	sdelay $0x2  }
0x30: {  	s31 =	sshll.u32 s1, $0xD;
	s1 =	sshrl.u32 s1, $0x2  }
0x31: {  	s3 =	sand.u32 $0x4000, s31;
	s1 =	sadd.s32 s1, s30  }
0x32: {  	s0 =	sor.u32 s3, s0;
	s1 =	sshll.u32 s1, $0x11  }
0x33: {  	s0 =	sor.u32 s1, s0  }
0x34: {  	s0 =	sadd.s32 $0x8F2B, s0  }
0x35: {  	[sflag:s0] =	ssyncadd.remote.s32 $0x1  }
0x36: {  	_ =	sfence.sel $0xFFFF  }
0x37: {  	[dreg:$0x0] =	wrdreg $0xFFFFFFFF;
	(pc) =	sbr.abs _section_cstart, $3  }
0x38: {  	[dreg:$0x1] =	wrdreg $0xFFFFFFFF  }
0x39: {  	_ =	task.clear_ibuf [dreg:s7], $0x2FFFF;
	_ =	strace $0x9FFFFFFF  }
0x3a: {  	(tm) =	ssettm $0x7FFFFFFF  }
0x3b: {  	_ =	shalt  }
tec
execute0_lowered:
.L_overlay_start_1:
0x0: {  	(tag) =	ssettag $0x1  }
0x1: {  	s1 =	rddreg [dreg:$0x0]  }
0x2: {  	s2 =	rddreg [dreg:$0x1]  }
0x3: {  	s0 =	rddreg [dreg:$0x2]  }
0x4: {  	s4 =	srdreg.scid;
	_ =	strace $0x80000047;
	s6 =	simm.s32 $0x2  }
0x5: {  	s13 =	simm.s32 $0x0;
	p0 =	por $0x0, $0x0;
	s11 =	simm.s32 $0x0  }
.Ltmp0:
0x6: {  	s12 =	simm.s32 $0x0;
	s8 =	simm.s32 $0x0;
	(pc) =	sbr.rel .LBB1_1-.Ltmp0, $4  }
0x7: {  	s9 =	simm.s32 $0x0;
	s3 =	sadd.s32 $0x1600, s1;
	s4 =	sshll.u32 s4, $0x4  }
0x8: {  	s1 =	stileid.u32;
	s5 =	sand.u32 $0x10, s4;
	s4 =	simm.s32 $0x1  }
0x9: {  	s7 =	simm.s32 $0x0;
	s5 =	sor.u32 s1, s5;
	[sflag:s4] =	ssyncpa.u1 $0x0  }
0xa: {  	[sflag:s6] =	ssyncpa.u1 $0x0;
	s6 =	simm.s32 $0x40000;
	s10 =	smov.u32 s5  }
.LBB1_5:
0xb: {  	s14 =	sadd.s32 $0x1, s8  }
0xc: {  	s11 =	sadd.s32 $0x80, s9;
	s15 =	smov.u32 s9;
	p2 =	sgt.s32 s14, $0xF  }
0xd: {  	s15 =	smov.u32 @p2 s11  }
0xe: {  	s17 =	smov.u32 s10;
	s11 =	sadd.s32 $0x20, s10;
	p3 =	sgt.s32 s15, $0x7F  }
0xf: {  	p1 =	slt.u32 s7, $0x2;
	s17 =	smov.u32 @p3 s11  }
0x10: {  	s7 =	sadd.s32 $0x1, s7;
	s14 =	simm.s32 @p2 $0x0;
	p2 =	sgt.s32 s17, $0x7F  }
0x11: {  	s17 =	smov.u32 @p2 s5;
	p2 =	sne.s32 s7, $0x42  }
.Ltmp1:
0x12: {  	s16 =	simm.s32 @!p1 $0x2;
	(pc) =	sbr.rel @!p2 .LBB1_6-.Ltmp1, $4  }
0x13: {  	s13 =	smov.u32 s8;
	_ =	swait.ge @!p1 [sflag:s16], $0x4000  }
0x14: {  	s12 =	smov.u32 s10;
	p0 =	por !p0, !p0;
	[sflag:s16] =	ssyncset.done @!p1 $0x0  }
0x15: {  	s8 =	smov.u32 s14;
	s15 =	simm.s32 @p3 $0x0;
	s11 =	smov.u32 s9  }
0x16: {  	[sflag:s16] =	ssyncadd.s32 @!p1 $0xFFFFC000;
	s9 =	smov.u32 s15;
	s10 =	smov.u32 s17  }
.LBB1_1:
0x17: {  	p1 =	sgt.u32 s7, $0x3F  }
0x18: {  	s14 =	sxor.u32 @!p1 $0xFFFFFFFF, s7;
	s15 =	sshll.u32 @!p1 s10, $0xF;
	s16 =	sshll.u32 @!p1 s9, $0x8  }
0x19: {  	s17 =	sshll.u32 @!p1 s8, $0x4;
	s14 =	sshll.u32 @!p1 s14, $0xE;
	s15 =	sadd.s32 @!p1 s3, s15  }
0x1a: {  	s17 =	sand.u32 @!p1 $0xF0, s17;
	s14 =	sand.u32 @!p1 $0x4000, s14;
	s15 =	sadd.s32 @!p1 s16, s15  }
0x1b: {  	s16 =	simm.s32 @!p1 $0x80;
	s15 =	sadd.s32 @!p1 s17, s15;
	s17 =	simm.s32 @!p1 $0x800  }
0x1c: {  	[tilespmem:s14], [sflag:$0x1] =	stream.strided.gather @!p1 [hbm4b:s15+s16], $0x4000, s17, s16, $0x38;
	[tilespmem:$0x10100] =	vst v63  }
0x1d: {  	p1 =	seq.s32 s7, $0x0  }
0x1e: {  	p2 =	seq.s32 @!p1 s7, $0x41  }
0x1f: {  	p1 =	por p1, p2  }
.Ltmp2:
0x20: {  	_ = 	snop;
	(pc) =	sbr.rel @p1 .LBB1_5-.Ltmp2, $1  }
0x21: {  	_ =	sdelay $0x3  }
0x22: {  	s14 =	simm.s32 $0x1  }
0x23: {  	_ =	swait.ge [sflag:s4], $0x4000;
	s14 =	simm.s32 @!p0 $0x0  }
0x24: {  	[sflag:s4] =	ssyncset.done $0x0;
	s15 =	sshll.u32 s14, $0xE  }
0x25: {  	[sflag:s4] =	ssyncadd.s32 $0xFFFFC000;
	s16 =	sor.u32 $0x40, s15  }
0x26: {  	s14 =	smul.u32 $0x10200, s14;
	v0 =	vld [tilespmem:s16+$0x30]  }
0x27: {  	v3 =	vld [tilespmem:s16+$0xFFFFFFD0]  }
0x28: {  	s14 =	sshrl.u32 s14, $0x2;
	v4 =	vld [tilespmem:s16+$0xFFFFFFE0]  }
0x29: {  	v5 =	vld [tilespmem:s16+$0xFFFFFFF0];
	s15 =	sor.u32 $0x8000, s14  }
0x2a: {  	s31 =	sand.u32 $0x1, s7;
	v1 =	vld [tilespmem:s16+$0x0];
	s17 =	sadd.s32 $0x0, s15  }
0x2b: {  	v2 =	vld [tilespmem:s16+$0x10];
	s14 =	smul.u32 $0x10200, s31;
	[tilespmem:s17+$0x3870 ss:$0x81] =	vst.msk $0xffff, v0  }
0x2c: {  	[tilespmem:s17+$0x810 ss:$0x81] =	vst.msk $0xffff, v3;
	v3 =	vld [tilespmem:s16+$0x20]  }
0x2d: {  	s14 =	sshrl.u32 s14, $0x2;
	v0 =	vld [tilespmem:s16+$0xFFFFFFC0];
	[tilespmem:s17+$0x1020 ss:$0x81] =	vst.msk $0xffff, v4;
	s16 =	sadd.s32 $0x80, s16  }
0x2e: {  	s18 =	simm.s32 $0x4;
	s19 =	simm.s32 $0x8;
	s14 =	sor.u32 $0x8000, s14;
	[tilespmem:s17+$0x1830 ss:$0x81] =	vst.msk $0xffff, v5;
	v4 =	vld [tilespmem:s16+$0x30]  }
.LBB1_3:
0x2f: {  	p1 =	sne.s32 s19, $0x1FC;
	v5 =	vld [tilespmem:s16+$0xFFFFFFD0];
	[tilespmem:s17+$0x2040 ss:$0x81] =	vst.msk $0xffff, v1  }
0x30: {  	v6 =	vld [tilespmem:s16+$0xFFFFFFE0];
	[tilespmem:s17+$0x2850 ss:$0x81] =	vst.msk $0xffff, v2  }
0x31: {  	s20 =	sshra.s32 s18, $0x2;
	s18 =	smov.u32 s19;
	v7 =	vld [tilespmem:s16+$0xFFFFFFF0];
	[tilespmem:s17+$0x3060 ss:$0x81] =	vst.msk $0xffff, v3  }
.Ltmp3:
0x32: {  	v1 =	vld [tilespmem:s16+$0x0];
	[tilespmem:s17+$0x0 ss:$0x81] =	vst.msk $0xffff, v0;
	s17 =	sadd.s32 s20, s15;
	(pc) =	sbr.rel @p1 .LBB1_3-.Ltmp3, $4  }
0x33: {  	v2 =	vld [tilespmem:s16+$0x10];
	[tilespmem:s17+$0x3870 ss:$0x81] =	vst.msk $0xffff, v4  }
0x34: {  	[tilespmem:s17+$0x810 ss:$0x81] =	vst.msk $0xffff, v5;
	v3 =	vld [tilespmem:s16+$0x20]  }
0x35: {  	v0 =	vld [tilespmem:s16+$0xFFFFFFC0];
	[tilespmem:s17+$0x1020 ss:$0x81] =	vst.msk $0xffff, v6;
	s16 =	sadd.s32 $0x80, s16  }
0x36: {  	s19 =	sadd.s32 $0x4, s19;
	v4 =	vld [tilespmem:s16+$0x30];
	[tilespmem:s17+$0x1830 ss:$0x81] =	vst.msk $0xffff, v7  }
0x37: {  	v5 =	vld [tilespmem:s16+$0xFFFFFFD0];
	[tilespmem:s17+$0x2040 ss:$0x81] =	vst.msk $0xffff, v1  }
0x38: {  	v58 =	vld [tilespmem:s16+$0xFFFFFFE0];
	[tilespmem:s17+$0x2850 ss:$0x81] =	vst.msk $0xffff, v2  }
0x39: {  	s18 =	sshra.s32 s18, $0x2;
	v59 =	vld [tilespmem:s16+$0xFFFFFFF0];
	[tilespmem:s17+$0x3060 ss:$0x81] =	vst.msk $0xffff, v3  }
0x3a: {  	v60 =	vld [tilespmem:s16+$0x0];
	s15 =	sadd.s32 s18, s15;
	[tilespmem:s17+$0x0 ss:$0x81] =	vst.msk $0xffff, v0  }
0x3b: {  	v61 =	vld [tilespmem:s16+$0x10];
	[tilespmem:s15+$0x3870 ss:$0x81] =	vst.msk $0xffff, v4  }
0x3c: {  	s13 =	sshll.u32 s13, $0x7;
	s27 =	sshll.u32 s11, $0x3;
	v62 =	vld [tilespmem:s16+$0x20];
	[tilespmem:s15+$0x810 ss:$0x81] =	vst.msk $0xffff, v5  }
0x3d: {  	v63 =	vld [tilespmem:s16+$0xFFFFFFC0];
	s12 =	sshll.u32 s12, $0x8;
	s28 =	sand.u32 $0x400, s13;
	s17 =	sand.u32 $0x400, s27;
	[tilespmem:s15+$0x1020 ss:$0x81] =	vst.msk $0xffff, v58  }
0x3e: {  	s30 =	sshrl.u32 s11, $0x3;
	s13 =	sand.u32 $0x380, s13;
	s29 =	sadd.s32 s17, s28;
	[tilespmem:s15+$0x1830 ss:$0x81] =	vst.msk $0xffff, v59  }
.Ltmp4:
0x3f: {  	s31 =	sand.u32 $0x7, s11;
	s13 =	sor.u32 s13, s29;
	[tilespmem:s15+$0x2040 ss:$0x81] =	vst.msk $0xffff, v60;
	(pc) =	sbr.rel .LBB1_5-.Ltmp4, $4  }
0x40: {  	s16 =	sand.u32 $0xF, s30;
	s12 =	sadd.s32 s2, s12;
	[tilespmem:s15+$0x2850 ss:$0x81] =	vst.msk $0xffff, v61;
	s13 =	sshrl.u32 s13, $0x3  }
0x41: {  	s11 =	sshll.u32 s31, $0x12;
	s12 =	sadd.s32 s16, s12;
	[tilespmem:s15+$0x3060 ss:$0x81] =	vst.msk $0xffff, v62;
	s13 =	sand.u32 $0xF0, s13  }
0x42: {  	s11 =	sor.u32 $0x80, s11;
	[tilespmem:s15+$0x0 ss:$0x81] =	vst.msk $0xffff, v63;
	s12 =	sadd.s32 s13, s12  }
0x43: {  	[hbm4b:s12+s11] =	stream.strided.scatter [tilespmem:s14], [sflag:$0x2], $0x4000, s6, s11, $0x20;
	[tilespmem:$0x10100] =	vst v63  }
.LBB1_6:
0x44: {  	_ =	sfence.sel $0x180000  }
0x45: {  	s2 =	simm.s32 $0x1;
	[bflag:$0x0] =	sbarrier.arrive $0xFFFF  }
0x46: {  	s31 =	simm.s32 $0x2;
	[sflag:s2] =	ssyncpa.u1 $0x1  }
0x47: {  	[sflag:s31] =	ssyncpa.u1 $0x1  }
0x48: {  	p0 =	sne.s32 s1, $0x0;
	_ =	strace $0x90000047  }
0x49: {  	s0 =	sadd.s32 @!p0 $0x100000, s0;
	[bflag:$0x2] =	sbarrier.arrive $0xFFFF  }
0x4a: {  	[sflag:s0] =	ssyncadd.tile.s32 @!p0 $0x1;
	_ =	shalt  }
.Lfunc_end1:
_tile_overlayer_lowered:
.L_overlay_start_2:
0x4b: {  	(tag) =	ssettag $0x2  }
0x4c: {  	s0 =	rddreg [dreg:$0x0];
	s2 =	stileid.u32  }
0x4d: {  	s1 =	rddreg [dreg:$0x1];
	p0 =	sne.s32 s2, $0x0  }
0x4e: {  	s3 =	rddreg [dreg:$0x2];
	[bflag:$0x3] =	sbarrier.arrive $0xFFFF;
	s2 =	simm.s32 @!p0 $0x1C01  }
0x4f: {  	[timem:s3], [sflag:s2] =	dma.local @!p0 [hbm:s0], s1  }
0x50: {  	s0 =	simm.s32 @!p0 $0x1  }
0x51: {  	_ =	swait.ge @!p0 [sflag:s0], s1  }
0x52: {  	s1 =	ssub.s32 @!p0 $0x0, s1;
	[sflag:s0] =	ssyncset.done @!p0 $0x0  }
0x53: {  	[sflag:s0] =	ssyncadd.s32 @!p0 s1  }
0x54: {  	[bflag:$0x3] =	sbarrier.arrive $0xFFFF  }
0x55: {  	_ =	shalt  }

</sc_bundles>
